<compile_context>
chip_gen: v7x
topology: tpu7x:2x2x1
jax: 0.10.2.dev20260603
libtpu: 0.0.44.dev20260713+nightly
codegen_flags: <defaults>
</compile_context>

<pallas_src>
import functools

import jax
import jax.numpy as jnp
from jax import lax
from jax.experimental import pallas as pl
from jax.experimental.pallas import tpu as pltpu
from jax.experimental.pallas import tpu_sc as plsc

_NUM_CORES = 2
_NUM_SUBCORES = 16
_NUM_WORKERS = _NUM_CORES * _NUM_SUBCORES


@functools.lru_cache(maxsize=None)
def _make_gather_kernel(seq: int, batch: int, dim: int, nbuf: int):
    cols = batch // _NUM_WORKERS
    num_chunks = seq
    look = nbuf // 2
    assert batch % _NUM_WORKERS == 0
    assert cols % 8 == 0 and cols <= 128
    assert num_chunks % nbuf == 0 and num_chunks >= 2 * nbuf

    mesh = plsc.VectorSubcoreMesh(
        core_axis_name="c",
        subcore_axis_name="s",
        num_cores=_NUM_CORES,
        num_subcores=_NUM_SUBCORES,
    )

    @functools.partial(
        pl.kernel,
        mesh=mesh,
        out_type=jax.ShapeDtypeStruct((seq * batch, dim), jnp.float32),
        scratch_types=[
            pltpu.VMEM((seq, cols), jnp.int32),
            [pltpu.VMEM((cols, dim), jnp.float32) for _ in range(nbuf)],
            [pltpu.SemaphoreType.DMA for _ in range(nbuf)],
            [pltpu.SemaphoreType.DMA for _ in range(nbuf)],
        ],
    )
    def gather_kernel(table_hbm, idx_hbm, out_hbm, idx_v, bufs, gsems, ssems):
        wid = lax.axis_index("c") * _NUM_SUBCORES + lax.axis_index("s")
        col0 = wid * cols
        pltpu.sync_copy(idx_hbm.at[:, pl.ds(col0, cols)], idx_v)

        def start_gather(chunk_id, b):
            pltpu.async_copy(
                table_hbm.at[idx_v.at[chunk_id]], bufs[b], gsems[b]
            )

        def wait_gather(b):
            pltpu.make_async_copy(
                table_hbm.at[pl.ds(0, cols)], bufs[b], gsems[b]
            ).wait()

        def start_store(chunk_id, b):
            pltpu.async_copy(
                bufs[b], out_hbm.at[pl.ds(chunk_id * batch + col0, cols)], ssems[b]
            )

        def wait_store(b):
            pltpu.make_async_copy(
                bufs[b], out_hbm.at[pl.ds(col0, cols)], ssems[b]
            ).wait()

        for i in range(look):
            start_gather(i, i)
        for i in range(look, nbuf):
            wait_gather(i - look)
            start_store(i - look, i - look)
            start_gather(i, i)

        def body(g, carry):
            for b in range(nbuf):
                i = g * nbuf + b
                wait_store(b)
                start_gather(i, b)
                b2 = (b + nbuf - look) % nbuf
                wait_gather(b2)
                start_store(i - look, b2)
            return carry

        lax.fori_loop(1, num_chunks // nbuf, body, 0, unroll=False)

        n = num_chunks
        for j in range(n - look, n):
            wait_gather(j % nbuf)
            start_store(j, j % nbuf)
        for b in range(nbuf):
            wait_store(b)

    return gather_kernel


def kernel(token_ids, weight):
    dim = weight.shape[1]
    b, s = token_ids.shape
    ids = token_ids.T.astype(jnp.int32)
    gather = _make_gather_kernel(s, b, dim, 5)
    out = gather(weight, ids)
    return out.reshape(s, b, dim).transpose(1, 0, 2)

# --- scband reference (transcript-rebuilt; emitter-appended) ---
"""Pipeline reference for scband-embedding-47596827574277 (READ-ONLY COPY).

The authoritative reference and input builder live on the scoring server;
editing this copy changes nothing except your own understanding.
"""

import jax, jax.numpy as jnp
import numpy as np


def setup_inputs(seed: int = 0) -> dict:
    key = jax.random.key(seed)
    k1, k2 = jax.random.split(key)
    token_ids = jax.random.randint(k1, (4096, 50), 0, 100000, dtype=jnp.int64 if jax.config.jax_enable_x64 else jnp.int32)
    weight = jax.random.truncated_normal(k2, -2.0, 2.0, (100000, 128), dtype=jnp.float32) * 0.02
    return {"token_ids": token_ids, "weight": weight}


def reference(token_ids, weight):
    # Embedding lookup: weight[token_ids]
    return jnp.take(weight, token_ids, axis=0)

if __name__ == "__main__":
    import jax
    _d = setup_inputs()
    print(jax.jit(kernel)(*tuple(_d.values())))

</pallas_src>

<mosaic_0001>
#map = affine_map<(d0, d1) -> (0, 0)>
module attributes {stable_mosaic.version = 14 : i64} {
  func.func @gather_kernel(%arg0: i32, %arg1: i32, %arg2: memref<100000x128xf32, #tpu.memory_space<hbm>>, %arg3: memref<50x4096xi32, #tpu.memory_space<hbm>>, %arg4: memref<204800x128xf32, #tpu.memory_space<hbm>>, %arg5: memref<50x128xi32, #tpu.memory_space<vmem>>, %arg6: memref<128x128xf32, #tpu.memory_space<vmem>>, %arg7: memref<128x128xf32, #tpu.memory_space<vmem>>, %arg8: memref<128x128xf32, #tpu.memory_space<vmem>>, %arg9: memref<128x128xf32, #tpu.memory_space<vmem>>, %arg10: memref<128x128xf32, #tpu.memory_space<vmem>>, %arg11: memref<!tpu.dma_semaphore, #tpu.memory_space<semaphore_mem>>, %arg12: memref<!tpu.dma_semaphore, #tpu.memory_space<semaphore_mem>>, %arg13: memref<!tpu.dma_semaphore, #tpu.memory_space<semaphore_mem>>, %arg14: memref<!tpu.dma_semaphore, #tpu.memory_space<semaphore_mem>>, %arg15: memref<!tpu.dma_semaphore, #tpu.memory_space<semaphore_mem>>, %arg16: memref<!tpu.dma_semaphore, #tpu.memory_space<semaphore_mem>>, %arg17: memref<!tpu.dma_semaphore, #tpu.memory_space<semaphore_mem>>, %arg18: memref<!tpu.dma_semaphore, #tpu.memory_space<semaphore_mem>>, %arg19: memref<!tpu.dma_semaphore, #tpu.memory_space<semaphore_mem>>, %arg20: memref<!tpu.dma_semaphore, #tpu.memory_space<semaphore_mem>>) attributes {dimension_semantics = [#tpu.dimension_semantics<core_parallel>, #tpu.dimension_semantics<subcore_parallel>], iteration_bounds = array<i64: 2, 16>, scalar_prefetch = 0 : i64, scratch_operands = 16 : i64, tpu.core_type = #tpu.core_type<sc_vector_subcore>, window_params = [{transform_indices = #map}, {transform_indices = #map}, {transform_indices = #map}]} {
    %mul3A = arith.constant 16 : i32
    %mul3A_0 = arith.muli %arg0, %mul3A : i32
    %add3A = arith.addi %mul3A_0, %arg1 : i32
    %mul3A_1 = arith.constant 128 : i32
    %mul3A_2 = arith.muli %add3A, %mul3A_1 : i32
    "tpu.region"() ({
      %run_scoped3A = tpu.sem_alloc : memref<!tpu.dma_semaphore, #tpu.memory_space<semaphore_mem>>
      %dma_start3A_121 = arith.constant 0 : i32
      %dma_start3A_122 = tpu.memref_slice %arg3[%dma_start3A_121, %mul3A_2] : memref<50x4096xi32, #tpu.memory_space<hbm>> -> memref<50x128xi32, #tpu.memory_space<hbm>>
      %dma_start3A_123 = arith.constant 0 : i32
      %dma_start3A_124 = tpu.memref_slice %arg3[%dma_start3A_123, %mul3A_2] : memref<50x4096xi32, #tpu.memory_space<hbm>> -> memref<50x128xi32, #tpu.memory_space<hbm>>
      tpu.enqueue_dma source(%dma_start3A_124 : memref<50x128xi32, #tpu.memory_space<hbm>>) target(%arg5 : memref<50x128xi32, #tpu.memory_space<vmem>>) target_semaphore(%run_scoped3A : memref<!tpu.dma_semaphore, #tpu.memory_space<semaphore_mem>>)
      %dma_wait3A_125 = arith.constant 0 : i32
      %dma_wait3A_126 = tpu.memref_slice %arg3[%dma_wait3A_125, %mul3A_2] : memref<50x4096xi32, #tpu.memory_space<hbm>> -> memref<50x128xi32, #tpu.memory_space<hbm>>
      %dma_wait3A_127 = arith.constant 0 : i32
      %dma_wait3A_128 = tpu.memref_slice %arg3[%dma_wait3A_127, %mul3A_2] : memref<50x4096xi32, #tpu.memory_space<hbm>> -> memref<50x128xi32, #tpu.memory_space<hbm>>
      tpu.wait_dma2 semaphore(%run_scoped3A : memref<!tpu.dma_semaphore, #tpu.memory_space<semaphore_mem>>) src(%dma_wait3A_128 : memref<50x128xi32, #tpu.memory_space<hbm>>) dst(%arg5 : memref<50x128xi32, #tpu.memory_space<vmem>>)
      tpu.yield
    }) : () -> ()
    %dma_start3A = arith.constant 0 : i32
    %dma_start3A_3 = arith.constant 0 : i32
    %dma_start3A_4 = tpu.memref_slice %arg5[%dma_start3A, %dma_start3A_3] : memref<50x128xi32, #tpu.memory_space<vmem>> -> memref<1x128xi32, #tpu.memory_space<vmem>>
    %dma_start3A_5 = tpu.memref_squeeze %dma_start3A_4 : memref<1x128xi32, #tpu.memory_space<vmem>> -> memref<128xi32, #tpu.memory_space<vmem>>
    %dma_start3A_6 = arith.constant 0 : i32
    %dma_start3A_7 = arith.constant 0 : i32
    %dma_start3A_8 = tpu.memref_slice %arg2[%dma_start3A_6, %dma_start3A_7] : memref<100000x128xf32, #tpu.memory_space<hbm>> -> memref<100000x128xf32, #tpu.memory_space<hbm>>
    tpu.enqueue_indirect_dma source(%dma_start3A_8 : memref<100000x128xf32, #tpu.memory_space<hbm>>) target(%arg6 : memref<128x128xf32, #tpu.memory_space<vmem>>) offsets(%dma_start3A_5 : memref<128xi32, #tpu.memory_space<vmem>>) semaphore(%arg11 : memref<!tpu.dma_semaphore, #tpu.memory_space<semaphore_mem>>)
    %dma_start3A_9 = arith.constant 1 : i32
    %dma_start3A_10 = arith.constant 0 : i32
    %dma_start3A_11 = tpu.memref_slice %arg5[%dma_start3A_9, %dma_start3A_10] : memref<50x128xi32, #tpu.memory_space<vmem>> -> memref<1x128xi32, #tpu.memory_space<vmem>>
    %dma_start3A_12 = tpu.memref_squeeze %dma_start3A_11 : memref<1x128xi32, #tpu.memory_space<vmem>> -> memref<128xi32, #tpu.memory_space<vmem>>
    %dma_start3A_13 = arith.constant 0 : i32
    %dma_start3A_14 = arith.constant 0 : i32
    %dma_start3A_15 = tpu.memref_slice %arg2[%dma_start3A_13, %dma_start3A_14] : memref<100000x128xf32, #tpu.memory_space<hbm>> -> memref<100000x128xf32, #tpu.memory_space<hbm>>
    tpu.enqueue_indirect_dma source(%dma_start3A_15 : memref<100000x128xf32, #tpu.memory_space<hbm>>) target(%arg7 : memref<128x128xf32, #tpu.memory_space<vmem>>) offsets(%dma_start3A_12 : memref<128xi32, #tpu.memory_space<vmem>>) semaphore(%arg12 : memref<!tpu.dma_semaphore, #tpu.memory_space<semaphore_mem>>)
    %dma_wait3A = arith.constant 0 : i32
    %dma_wait3A_16 = arith.constant 0 : i32
    %dma_wait3A_17 = tpu.memref_slice %arg2[%dma_wait3A, %dma_wait3A_16] : memref<100000x128xf32, #tpu.memory_space<hbm>> -> memref<128x128xf32, #tpu.memory_space<hbm>>
    %dma_wait3A_18 = arith.constant 0 : i32
    %dma_wait3A_19 = arith.constant 0 : i32
    %dma_wait3A_20 = tpu.memref_slice %arg2[%dma_wait3A_18, %dma_wait3A_19] : memref<100000x128xf32, #tpu.memory_space<hbm>> -> memref<128x128xf32, #tpu.memory_space<hbm>>
    tpu.wait_dma2 semaphore(%arg11 : memref<!tpu.dma_semaphore, #tpu.memory_space<semaphore_mem>>) src(%dma_wait3A_20 : memref<128x128xf32, #tpu.memory_space<hbm>>) dst(%arg6 : memref<128x128xf32, #tpu.memory_space<vmem>>)
    %add3A_21 = arith.constant 0 : i32
    %add3A_22 = arith.addi %add3A_21, %mul3A_2 : i32
    %dma_start3A_23 = arith.constant 0 : i32
    %dma_start3A_24 = tpu.memref_slice %arg4[%add3A_22, %dma_start3A_23] : memref<204800x128xf32, #tpu.memory_space<hbm>> -> memref<128x128xf32, #tpu.memory_space<hbm>>
    %dma_start3A_25 = arith.constant 0 : i32
    %dma_start3A_26 = tpu.memref_slice %arg4[%add3A_22, %dma_start3A_25] : memref<204800x128xf32, #tpu.memory_space<hbm>> -> memref<128x128xf32, #tpu.memory_space<hbm>>
    tpu.enqueue_dma source(%arg6 : memref<128x128xf32, #tpu.memory_space<vmem>>) target(%dma_start3A_26 : memref<128x128xf32, #tpu.memory_space<hbm>>) target_semaphore(%arg16 : memref<!tpu.dma_semaphore, #tpu.memory_space<semaphore_mem>>)
    %dma_start3A_27 = arith.constant 2 : i32
    %dma_start3A_28 = arith.constant 0 : i32
    %dma_start3A_29 = tpu.memref_slice %arg5[%dma_start3A_27, %dma_start3A_28] : memref<50x128xi32, #tpu.memory_space<vmem>> -> memref<1x128xi32, #tpu.memory_space<vmem>>
    %dma_start3A_30 = tpu.memref_squeeze %dma_start3A_29 : memref<1x128xi32, #tpu.memory_space<vmem>> -> memref<128xi32, #tpu.memory_space<vmem>>
    %dma_start3A_31 = arith.constant 0 : i32
    %dma_start3A_32 = arith.constant 0 : i32
    %dma_start3A_33 = tpu.memref_slice %arg2[%dma_start3A_31, %dma_start3A_32] : memref<100000x128xf32, #tpu.memory_space<hbm>> -> memref<100000x128xf32, #tpu.memory_space<hbm>>
    tpu.enqueue_indirect_dma source(%dma_start3A_33 : memref<100000x128xf32, #tpu.memory_space<hbm>>) target(%arg8 : memref<128x128xf32, #tpu.memory_space<vmem>>) offsets(%dma_start3A_30 : memref<128xi32, #tpu.memory_space<vmem>>) semaphore(%arg13 : memref<!tpu.dma_semaphore, #tpu.memory_space<semaphore_mem>>)
    %dma_wait3A_34 = arith.constant 0 : i32
    %dma_wait3A_35 = arith.constant 0 : i32
    %dma_wait3A_36 = tpu.memref_slice %arg2[%dma_wait3A_34, %dma_wait3A_35] : memref<100000x128xf32, #tpu.memory_space<hbm>> -> memref<128x128xf32, #tpu.memory_space<hbm>>
    %dma_wait3A_37 = arith.constant 0 : i32
    %dma_wait3A_38 = arith.constant 0 : i32
    %dma_wait3A_39 = tpu.memref_slice %arg2[%dma_wait3A_37, %dma_wait3A_38] : memref<100000x128xf32, #tpu.memory_space<hbm>> -> memref<128x128xf32, #tpu.memory_space<hbm>>
    tpu.wait_dma2 semaphore(%arg12 : memref<!tpu.dma_semaphore, #tpu.memory_space<semaphore_mem>>) src(%dma_wait3A_39 : memref<128x128xf32, #tpu.memory_space<hbm>>) dst(%arg7 : memref<128x128xf32, #tpu.memory_space<vmem>>)
    %add3A_40 = arith.constant 4096 : i32
    %add3A_41 = arith.addi %add3A_40, %mul3A_2 : i32
    %dma_start3A_42 = arith.constant 0 : i32
    %dma_start3A_43 = tpu.memref_slice %arg4[%add3A_41, %dma_start3A_42] : memref<204800x128xf32, #tpu.memory_space<hbm>> -> memref<128x128xf32, #tpu.memory_space<hbm>>
    %dma_start3A_44 = arith.constant 0 : i32
    %dma_start3A_45 = tpu.memref_slice %arg4[%add3A_41, %dma_start3A_44] : memref<204800x128xf32, #tpu.memory_space<hbm>> -> memref<128x128xf32, #tpu.memory_space<hbm>>
    tpu.enqueue_dma source(%arg7 : memref<128x128xf32, #tpu.memory_space<vmem>>) target(%dma_start3A_45 : memref<128x128xf32, #tpu.memory_space<hbm>>) target_semaphore(%arg17 : memref<!tpu.dma_semaphore, #tpu.memory_space<semaphore_mem>>)
    %dma_start3A_46 = arith.constant 3 : i32
    %dma_start3A_47 = arith.constant 0 : i32
    %dma_start3A_48 = tpu.memref_slice %arg5[%dma_start3A_46, %dma_start3A_47] : memref<50x128xi32, #tpu.memory_space<vmem>> -> memref<1x128xi32, #tpu.memory_space<vmem>>
    %dma_start3A_49 = tpu.memref_squeeze %dma_start3A_48 : memref<1x128xi32, #tpu.memory_space<vmem>> -> memref<128xi32, #tpu.memory_space<vmem>>
    %dma_start3A_50 = arith.constant 0 : i32
    %dma_start3A_51 = arith.constant 0 : i32
    %dma_start3A_52 = tpu.memref_slice %arg2[%dma_start3A_50, %dma_start3A_51] : memref<100000x128xf32, #tpu.memory_space<hbm>> -> memref<100000x128xf32, #tpu.memory_space<hbm>>
    tpu.enqueue_indirect_dma source(%dma_start3A_52 : memref<100000x128xf32, #tpu.memory_space<hbm>>) target(%arg9 : memref<128x128xf32, #tpu.memory_space<vmem>>) offsets(%dma_start3A_49 : memref<128xi32, #tpu.memory_space<vmem>>) semaphore(%arg14 : memref<!tpu.dma_semaphore, #tpu.memory_space<semaphore_mem>>)
    %dma_wait3A_53 = arith.constant 0 : i32
    %dma_wait3A_54 = arith.constant 0 : i32
    %dma_wait3A_55 = tpu.memref_slice %arg2[%dma_wait3A_53, %dma_wait3A_54] : memref<100000x128xf32, #tpu.memory_space<hbm>> -> memref<128x128xf32, #tpu.memory_space<hbm>>
    %dma_wait3A_56 = arith.constant 0 : i32
    %dma_wait3A_57 = arith.constant 0 : i32
    %dma_wait3A_58 = tpu.memref_slice %arg2[%dma_wait3A_56, %dma_wait3A_57] : memref<100000x128xf32, #tpu.memory_space<hbm>> -> memref<128x128xf32, #tpu.memory_space<hbm>>
    tpu.wait_dma2 semaphore(%arg13 : memref<!tpu.dma_semaphore, #tpu.memory_space<semaphore_mem>>) src(%dma_wait3A_58 : memref<128x128xf32, #tpu.memory_space<hbm>>) dst(%arg8 : memref<128x128xf32, #tpu.memory_space<vmem>>)
    %add3A_59 = arith.constant 8192 : i32
    %add3A_60 = arith.addi %add3A_59, %mul3A_2 : i32
    %dma_start3A_61 = arith.constant 0 : i32
    %dma_start3A_62 = tpu.memref_slice %arg4[%add3A_60, %dma_start3A_61] : memref<204800x128xf32, #tpu.memory_space<hbm>> -> memref<128x128xf32, #tpu.memory_space<hbm>>
    %dma_start3A_63 = arith.constant 0 : i32
    %dma_start3A_64 = tpu.memref_slice %arg4[%add3A_60, %dma_start3A_63] : memref<204800x128xf32, #tpu.memory_space<hbm>> -> memref<128x128xf32, #tpu.memory_space<hbm>>
    tpu.enqueue_dma source(%arg8 : memref<128x128xf32, #tpu.memory_space<vmem>>) target(%dma_start3A_64 : memref<128x128xf32, #tpu.memory_space<hbm>>) target_semaphore(%arg18 : memref<!tpu.dma_semaphore, #tpu.memory_space<semaphore_mem>>)
    %dma_start3A_65 = arith.constant 4 : i32
    %dma_start3A_66 = arith.constant 0 : i32
    %dma_start3A_67 = tpu.memref_slice %arg5[%dma_start3A_65, %dma_start3A_66] : memref<50x128xi32, #tpu.memory_space<vmem>> -> memref<1x128xi32, #tpu.memory_space<vmem>>
    %dma_start3A_68 = tpu.memref_squeeze %dma_start3A_67 : memref<1x128xi32, #tpu.memory_space<vmem>> -> memref<128xi32, #tpu.memory_space<vmem>>
    %dma_start3A_69 = arith.constant 0 : i32
    %dma_start3A_70 = arith.constant 0 : i32
    %dma_start3A_71 = tpu.memref_slice %arg2[%dma_start3A_69, %dma_start3A_70] : memref<100000x128xf32, #tpu.memory_space<hbm>> -> memref<100000x128xf32, #tpu.memory_space<hbm>>
    tpu.enqueue_indirect_dma source(%dma_start3A_71 : memref<100000x128xf32, #tpu.memory_space<hbm>>) target(%arg10 : memref<128x128xf32, #tpu.memory_space<vmem>>) offsets(%dma_start3A_68 : memref<128xi32, #tpu.memory_space<vmem>>) semaphore(%arg15 : memref<!tpu.dma_semaphore, #tpu.memory_space<semaphore_mem>>)
    %scan3A = arith.constant 0 : i32
    %scan3A_72 = arith.constant 1 : i32
    %scan3A_73 = arith.constant 9 : i32
    %scan3A_74 = arith.addi %scan3A_72, %scan3A_73 : i32
    %scan3A_75 = arith.constant 1 : i32
    scf.for %scan3A_121 = %scan3A_72 to %scan3A_74 step %scan3A_75  : i32 {
      %mul3A_122 = arith.constant 5 : i32
      %mul3A_123 = arith.muli %scan3A_121, %mul3A_122 : i32
      %add3A_124 = arith.constant 0 : i32
      %add3A_125 = arith.addi %mul3A_123, %add3A_124 : i32
      %dma_wait3A_126 = arith.constant 0 : i32
      %dma_wait3A_127 = tpu.memref_slice %arg4[%mul3A_2, %dma_wait3A_126] : memref<204800x128xf32, #tpu.memory_space<hbm>> -> memref<128x128xf32, #tpu.memory_space<hbm>>
      %dma_wait3A_128 = arith.constant 0 : i32
      %dma_wait3A_129 = tpu.memref_slice %arg4[%mul3A_2, %dma_wait3A_128] : memref<204800x128xf32, #tpu.memory_space<hbm>> -> memref<128x128xf32, #tpu.memory_space<hbm>>
      tpu.wait_dma2 semaphore(%arg16 : memref<!tpu.dma_semaphore, #tpu.memory_space<semaphore_mem>>) src(%arg6 : memref<128x128xf32, #tpu.memory_space<vmem>>) dst(%dma_wait3A_129 : memref<128x128xf32, #tpu.memory_space<hbm>>)
      %dma_start3A_130 = arith.constant 0 : i32
      %dma_start3A_131 = tpu.memref_slice %arg5[%add3A_125, %dma_start3A_130] : memref<50x128xi32, #tpu.memory_space<vmem>> -> memref<1x128xi32, #tpu.memory_space<vmem>>
      %dma_start3A_132 = tpu.memref_squeeze %dma_start3A_131 : memref<1x128xi32, #tpu.memory_space<vmem>> -> memref<128xi32, #tpu.memory_space<vmem>>
      %dma_start3A_133 = arith.constant 0 : i32
      %dma_start3A_134 = arith.constant 0 : i32
      %dma_start3A_135 = tpu.memref_slice %arg2[%dma_start3A_133, %dma_start3A_134] : memref<100000x128xf32, #tpu.memory_space<hbm>> -> memref<100000x128xf32, #tpu.memory_space<hbm>>
      tpu.enqueue_indirect_dma source(%dma_start3A_135 : memref<100000x128xf32, #tpu.memory_space<hbm>>) target(%arg6 : memref<128x128xf32, #tpu.memory_space<vmem>>) offsets(%dma_start3A_132 : memref<128xi32, #tpu.memory_space<vmem>>) semaphore(%arg11 : memref<!tpu.dma_semaphore, #tpu.memory_space<semaphore_mem>>)
      %dma_wait3A_136 = arith.constant 0 : i32
      %dma_wait3A_137 = arith.constant 0 : i32
      %dma_wait3A_138 = tpu.memref_slice %arg2[%dma_wait3A_136, %dma_wait3A_137] : memref<100000x128xf32, #tpu.memory_space<hbm>> -> memref<128x128xf32, #tpu.memory_space<hbm>>
      %dma_wait3A_139 = arith.constant 0 : i32
      %dma_wait3A_140 = arith.constant 0 : i32
      %dma_wait3A_141 = tpu.memref_slice %arg2[%dma_wait3A_139, %dma_wait3A_140] : memref<100000x128xf32, #tpu.memory_space<hbm>> -> memref<128x128xf32, #tpu.memory_space<hbm>>
      tpu.wait_dma2 semaphore(%arg14 : memref<!tpu.dma_semaphore, #tpu.memory_space<semaphore_mem>>) src(%dma_wait3A_141 : memref<128x128xf32, #tpu.memory_space<hbm>>) dst(%arg9 : memref<128x128xf32, #tpu.memory_space<vmem>>)
      %sub3A = arith.constant 2 : i32
      %sub3A_142 = arith.subi %add3A_125, %sub3A : i32
      %mul3A_143 = arith.constant 4096 : i32
      %mul3A_144 = arith.muli %sub3A_142, %mul3A_143 : i32
      %add3A_145 = arith.addi %mul3A_144, %mul3A_2 : i32
      %dma_start3A_146 = arith.constant 0 : i32
      %dma_start3A_147 = tpu.memref_slice %arg4[%add3A_145, %dma_start3A_146] : memref<204800x128xf32, #tpu.memory_space<hbm>> -> memref<128x128xf32, #tpu.memory_space<hbm>>
      %dma_start3A_148 = arith.constant 0 : i32
      %dma_start3A_149 = tpu.memref_slice %arg4[%add3A_145, %dma_start3A_148] : memref<204800x128xf32, #tpu.memory_space<hbm>> -> memref<128x128xf32, #tpu.memory_space<hbm>>
      tpu.enqueue_dma source(%arg9 : memref<128x128xf32, #tpu.memory_space<vmem>>) target(%dma_start3A_149 : memref<128x128xf32, #tpu.memory_space<hbm>>) target_semaphore(%arg19 : memref<!tpu.dma_semaphore, #tpu.memory_space<semaphore_mem>>)
      %mul3A_150 = arith.constant 5 : i32
      %mul3A_151 = arith.muli %scan3A_121, %mul3A_150 : i32
      %add3A_152 = arith.constant 1 : i32
      %add3A_153 = arith.addi %mul3A_151, %add3A_152 : i32
      %dma_wait3A_154 = arith.constant 0 : i32
      %dma_wait3A_155 = tpu.memref_slice %arg4[%mul3A_2, %dma_wait3A_154] : memref<204800x128xf32, #tpu.memory_space<hbm>> -> memref<128x128xf32, #tpu.memory_space<hbm>>
      %dma_wait3A_156 = arith.constant 0 : i32
      %dma_wait3A_157 = tpu.memref_slice %arg4[%mul3A_2, %dma_wait3A_156] : memref<204800x128xf32, #tpu.memory_space<hbm>> -> memref<128x128xf32, #tpu.memory_space<hbm>>
      tpu.wait_dma2 semaphore(%arg17 : memref<!tpu.dma_semaphore, #tpu.memory_space<semaphore_mem>>) src(%arg7 : memref<128x128xf32, #tpu.memory_space<vmem>>) dst(%dma_wait3A_157 : memref<128x128xf32, #tpu.memory_space<hbm>>)
      %dma_start3A_158 = arith.constant 0 : i32
      %dma_start3A_159 = tpu.memref_slice %arg5[%add3A_153, %dma_start3A_158] : memref<50x128xi32, #tpu.memory_space<vmem>> -> memref<1x128xi32, #tpu.memory_space<vmem>>
      %dma_start3A_160 = tpu.memref_squeeze %dma_start3A_159 : memref<1x128xi32, #tpu.memory_space<vmem>> -> memref<128xi32, #tpu.memory_space<vmem>>
      %dma_start3A_161 = arith.constant 0 : i32
      %dma_start3A_162 = arith.constant 0 : i32
      %dma_start3A_163 = tpu.memref_slice %arg2[%dma_start3A_161, %dma_start3A_162] : memref<100000x128xf32, #tpu.memory_space<hbm>> -> memref<100000x128xf32, #tpu.memory_space<hbm>>
      tpu.enqueue_indirect_dma source(%dma_start3A_163 : memref<100000x128xf32, #tpu.memory_space<hbm>>) target(%arg7 : memref<128x128xf32, #tpu.memory_space<vmem>>) offsets(%dma_start3A_160 : memref<128xi32, #tpu.memory_space<vmem>>) semaphore(%arg12 : memref<!tpu.dma_semaphore, #tpu.memory_space<semaphore_mem>>)
      %dma_wait3A_164 = arith.constant 0 : i32
      %dma_wait3A_165 = arith.constant 0 : i32
      %dma_wait3A_166 = tpu.memref_slice %arg2[%dma_wait3A_164, %dma_wait3A_165] : memref<100000x128xf32, #tpu.memory_space<hbm>> -> memref<128x128xf32, #tpu.memory_space<hbm>>
      %dma_wait3A_167 = arith.constant 0 : i32
      %dma_wait3A_168 = arith.constant 0 : i32
      %dma_wait3A_169 = tpu.memref_slice %arg2[%dma_wait3A_167, %dma_wait3A_168] : memref<100000x128xf32, #tpu.memory_space<hbm>> -> memref<128x128xf32, #tpu.memory_space<hbm>>
      tpu.wait_dma2 semaphore(%arg15 : memref<!tpu.dma_semaphore, #tpu.memory_space<semaphore_mem>>) src(%dma_wait3A_169 : memref<128x128xf32, #tpu.memory_space<hbm>>) dst(%arg10 : memref<128x128xf32, #tpu.memory_space<vmem>>)
      %sub3A_170 = arith.constant 2 : i32
      %sub3A_171 = arith.subi %add3A_153, %sub3A_170 : i32
      %mul3A_172 = arith.constant 4096 : i32
      %mul3A_173 = arith.muli %sub3A_171, %mul3A_172 : i32
      %add3A_174 = arith.addi %mul3A_173, %mul3A_2 : i32
      %dma_start3A_175 = arith.constant 0 : i32
      %dma_start3A_176 = tpu.memref_slice %arg4[%add3A_174, %dma_start3A_175] : memref<204800x128xf32, #tpu.memory_space<hbm>> -> memref<128x128xf32, #tpu.memory_space<hbm>>
      %dma_start3A_177 = arith.constant 0 : i32
      %dma_start3A_178 = tpu.memref_slice %arg4[%add3A_174, %dma_start3A_177] : memref<204800x128xf32, #tpu.memory_space<hbm>> -> memref<128x128xf32, #tpu.memory_space<hbm>>
      tpu.enqueue_dma source(%arg10 : memref<128x128xf32, #tpu.memory_space<vmem>>) target(%dma_start3A_178 : memref<128x128xf32, #tpu.memory_space<hbm>>) target_semaphore(%arg20 : memref<!tpu.dma_semaphore, #tpu.memory_space<semaphore_mem>>)
      %mul3A_179 = arith.constant 5 : i32
      %mul3A_180 = arith.muli %scan3A_121, %mul3A_179 : i32
      %add3A_181 = arith.constant 2 : i32
      %add3A_182 = arith.addi %mul3A_180, %add3A_181 : i32
      %dma_wait3A_183 = arith.constant 0 : i32
      %dma_wait3A_184 = tpu.memref_slice %arg4[%mul3A_2, %dma_wait3A_183] : memref<204800x128xf32, #tpu.memory_space<hbm>> -> memref<128x128xf32, #tpu.memory_space<hbm>>
      %dma_wait3A_185 = arith.constant 0 : i32
      %dma_wait3A_186 = tpu.memref_slice %arg4[%mul3A_2, %dma_wait3A_185] : memref<204800x128xf32, #tpu.memory_space<hbm>> -> memref<128x128xf32, #tpu.memory_space<hbm>>
      tpu.wait_dma2 semaphore(%arg18 : memref<!tpu.dma_semaphore, #tpu.memory_space<semaphore_mem>>) src(%arg8 : memref<128x128xf32, #tpu.memory_space<vmem>>) dst(%dma_wait3A_186 : memref<128x128xf32, #tpu.memory_space<hbm>>)
      %dma_start3A_187 = arith.constant 0 : i32
      %dma_start3A_188 = tpu.memref_slice %arg5[%add3A_182, %dma_start3A_187] : memref<50x128xi32, #tpu.memory_space<vmem>> -> memref<1x128xi32, #tpu.memory_space<vmem>>
      %dma_start3A_189 = tpu.memref_squeeze %dma_start3A_188 : memref<1x128xi32, #tpu.memory_space<vmem>> -> memref<128xi32, #tpu.memory_space<vmem>>
      %dma_start3A_190 = arith.constant 0 : i32
      %dma_start3A_191 = arith.constant 0 : i32
      %dma_start3A_192 = tpu.memref_slice %arg2[%dma_start3A_190, %dma_start3A_191] : memref<100000x128xf32, #tpu.memory_space<hbm>> -> memref<100000x128xf32, #tpu.memory_space<hbm>>
      tpu.enqueue_indirect_dma source(%dma_start3A_192 : memref<100000x128xf32, #tpu.memory_space<hbm>>) target(%arg8 : memref<128x128xf32, #tpu.memory_space<vmem>>) offsets(%dma_start3A_189 : memref<128xi32, #tpu.memory_space<vmem>>) semaphore(%arg13 : memref<!tpu.dma_semaphore, #tpu.memory_space<semaphore_mem>>)
      %dma_wait3A_193 = arith.constant 0 : i32
      %dma_wait3A_194 = arith.constant 0 : i32
      %dma_wait3A_195 = tpu.memref_slice %arg2[%dma_wait3A_193, %dma_wait3A_194] : memref<100000x128xf32, #tpu.memory_space<hbm>> -> memref<128x128xf32, #tpu.memory_space<hbm>>
      %dma_wait3A_196 = arith.constant 0 : i32
      %dma_wait3A_197 = arith.constant 0 : i32
      %dma_wait3A_198 = tpu.memref_slice %arg2[%dma_wait3A_196, %dma_wait3A_197] : memref<100000x128xf32, #tpu.memory_space<hbm>> -> memref<128x128xf32, #tpu.memory_space<hbm>>
      tpu.wait_dma2 semaphore(%arg11 : memref<!tpu.dma_semaphore, #tpu.memory_space<semaphore_mem>>) src(%dma_wait3A_198 : memref<128x128xf32, #tpu.memory_space<hbm>>) dst(%arg6 : memref<128x128xf32, #tpu.memory_space<vmem>>)
      %sub3A_199 = arith.constant 2 : i32
      %sub3A_200 = arith.subi %add3A_182, %sub3A_199 : i32
      %mul3A_201 = arith.constant 4096 : i32
      %mul3A_202 = arith.muli %sub3A_200, %mul3A_201 : i32
      %add3A_203 = arith.addi %mul3A_202, %mul3A_2 : i32
      %dma_start3A_204 = arith.constant 0 : i32
      %dma_start3A_205 = tpu.memref_slice %arg4[%add3A_203, %dma_start3A_204] : memref<204800x128xf32, #tpu.memory_space<hbm>> -> memref<128x128xf32, #tpu.memory_space<hbm>>
      %dma_start3A_206 = arith.constant 0 : i32
      %dma_start3A_207 = tpu.memref_slice %arg4[%add3A_203, %dma_start3A_206] : memref<204800x128xf32, #tpu.memory_space<hbm>> -> memref<128x128xf32, #tpu.memory_space<hbm>>
      tpu.enqueue_dma source(%arg6 : memref<128x128xf32, #tpu.memory_space<vmem>>) target(%dma_start3A_207 : memref<128x128xf32, #tpu.memory_space<hbm>>) target_semaphore(%arg16 : memref<!tpu.dma_semaphore, #tpu.memory_space<semaphore_mem>>)
      %mul3A_208 = arith.constant 5 : i32
      %mul3A_209 = arith.muli %scan3A_121, %mul3A_208 : i32
      %add3A_210 = arith.constant 3 : i32
      %add3A_211 = arith.addi %mul3A_209, %add3A_210 : i32
      %dma_wait3A_212 = arith.constant 0 : i32
      %dma_wait3A_213 = tpu.memref_slice %arg4[%mul3A_2, %dma_wait3A_212] : memref<204800x128xf32, #tpu.memory_space<hbm>> -> memref<128x128xf32, #tpu.memory_space<hbm>>
      %dma_wait3A_214 = arith.constant 0 : i32
      %dma_wait3A_215 = tpu.memref_slice %arg4[%mul3A_2, %dma_wait3A_214] : memref<204800x128xf32, #tpu.memory_space<hbm>> -> memref<128x128xf32, #tpu.memory_space<hbm>>
      tpu.wait_dma2 semaphore(%arg19 : memref<!tpu.dma_semaphore, #tpu.memory_space<semaphore_mem>>) src(%arg9 : memref<128x128xf32, #tpu.memory_space<vmem>>) dst(%dma_wait3A_215 : memref<128x128xf32, #tpu.memory_space<hbm>>)
      %dma_start3A_216 = arith.constant 0 : i32
      %dma_start3A_217 = tpu.memref_slice %arg5[%add3A_211, %dma_start3A_216] : memref<50x128xi32, #tpu.memory_space<vmem>> -> memref<1x128xi32, #tpu.memory_space<vmem>>
      %dma_start3A_218 = tpu.memref_squeeze %dma_start3A_217 : memref<1x128xi32, #tpu.memory_space<vmem>> -> memref<128xi32, #tpu.memory_space<vmem>>
      %dma_start3A_219 = arith.constant 0 : i32
      %dma_start3A_220 = arith.constant 0 : i32
      %dma_start3A_221 = tpu.memref_slice %arg2[%dma_start3A_219, %dma_start3A_220] : memref<100000x128xf32, #tpu.memory_space<hbm>> -> memref<100000x128xf32, #tpu.memory_space<hbm>>
      tpu.enqueue_indirect_dma source(%dma_start3A_221 : memref<100000x128xf32, #tpu.memory_space<hbm>>) target(%arg9 : memref<128x128xf32, #tpu.memory_space<vmem>>) offsets(%dma_start3A_218 : memref<128xi32, #tpu.memory_space<vmem>>) semaphore(%arg14 : memref<!tpu.dma_semaphore, #tpu.memory_space<semaphore_mem>>)
      %dma_wait3A_222 = arith.constant 0 : i32
      %dma_wait3A_223 = arith.constant 0 : i32
      %dma_wait3A_224 = tpu.memref_slice %arg2[%dma_wait3A_222, %dma_wait3A_223] : memref<100000x128xf32, #tpu.memory_space<hbm>> -> memref<128x128xf32, #tpu.memory_space<hbm>>
      %dma_wait3A_225 = arith.constant 0 : i32
      %dma_wait3A_226 = arith.constant 0 : i32
      %dma_wait3A_227 = tpu.memref_slice %arg2[%dma_wait3A_225, %dma_wait3A_226] : memref<100000x128xf32, #tpu.memory_space<hbm>> -> memref<128x128xf32, #tpu.memory_space<hbm>>
      tpu.wait_dma2 semaphore(%arg12 : memref<!tpu.dma_semaphore, #tpu.memory_space<semaphore_mem>>) src(%dma_wait3A_227 : memref<128x128xf32, #tpu.memory_space<hbm>>) dst(%arg7 : memref<128x128xf32, #tpu.memory_space<vmem>>)
      %sub3A_228 = arith.constant 2 : i32
      %sub3A_229 = arith.subi %add3A_211, %sub3A_228 : i32
      %mul3A_230 = arith.constant 4096 : i32
      %mul3A_231 = arith.muli %sub3A_229, %mul3A_230 : i32
      %add3A_232 = arith.addi %mul3A_231, %mul3A_2 : i32
      %dma_start3A_233 = arith.constant 0 : i32
      %dma_start3A_234 = tpu.memref_slice %arg4[%add3A_232, %dma_start3A_233] : memref<204800x128xf32, #tpu.memory_space<hbm>> -> memref<128x128xf32, #tpu.memory_space<hbm>>
      %dma_start3A_235 = arith.constant 0 : i32
      %dma_start3A_236 = tpu.memref_slice %arg4[%add3A_232, %dma_start3A_235] : memref<204800x128xf32, #tpu.memory_space<hbm>> -> memref<128x128xf32, #tpu.memory_space<hbm>>
      tpu.enqueue_dma source(%arg7 : memref<128x128xf32, #tpu.memory_space<vmem>>) target(%dma_start3A_236 : memref<128x128xf32, #tpu.memory_space<hbm>>) target_semaphore(%arg17 : memref<!tpu.dma_semaphore, #tpu.memory_space<semaphore_mem>>)
      %mul3A_237 = arith.constant 5 : i32
      %mul3A_238 = arith.muli %scan3A_121, %mul3A_237 : i32
      %add3A_239 = arith.constant 4 : i32
      %add3A_240 = arith.addi %mul3A_238, %add3A_239 : i32
      %dma_wait3A_241 = arith.constant 0 : i32
      %dma_wait3A_242 = tpu.memref_slice %arg4[%mul3A_2, %dma_wait3A_241] : memref<204800x128xf32, #tpu.memory_space<hbm>> -> memref<128x128xf32, #tpu.memory_space<hbm>>
      %dma_wait3A_243 = arith.constant 0 : i32
      %dma_wait3A_244 = tpu.memref_slice %arg4[%mul3A_2, %dma_wait3A_243] : memref<204800x128xf32, #tpu.memory_space<hbm>> -> memref<128x128xf32, #tpu.memory_space<hbm>>
      tpu.wait_dma2 semaphore(%arg20 : memref<!tpu.dma_semaphore, #tpu.memory_space<semaphore_mem>>) src(%arg10 : memref<128x128xf32, #tpu.memory_space<vmem>>) dst(%dma_wait3A_244 : memref<128x128xf32, #tpu.memory_space<hbm>>)
      %dma_start3A_245 = arith.constant 0 : i32
      %dma_start3A_246 = tpu.memref_slice %arg5[%add3A_240, %dma_start3A_245] : memref<50x128xi32, #tpu.memory_space<vmem>> -> memref<1x128xi32, #tpu.memory_space<vmem>>
      %dma_start3A_247 = tpu.memref_squeeze %dma_start3A_246 : memref<1x128xi32, #tpu.memory_space<vmem>> -> memref<128xi32, #tpu.memory_space<vmem>>
      %dma_start3A_248 = arith.constant 0 : i32
      %dma_start3A_249 = arith.constant 0 : i32
      %dma_start3A_250 = tpu.memref_slice %arg2[%dma_start3A_248, %dma_start3A_249] : memref<100000x128xf32, #tpu.memory_space<hbm>> -> memref<100000x128xf32, #tpu.memory_space<hbm>>
      tpu.enqueue_indirect_dma source(%dma_start3A_250 : memref<100000x128xf32, #tpu.memory_space<hbm>>) target(%arg10 : memref<128x128xf32, #tpu.memory_space<vmem>>) offsets(%dma_start3A_247 : memref<128xi32, #tpu.memory_space<vmem>>) semaphore(%arg15 : memref<!tpu.dma_semaphore, #tpu.memory_space<semaphore_mem>>)
      %dma_wait3A_251 = arith.constant 0 : i32
      %dma_wait3A_252 = arith.constant 0 : i32
      %dma_wait3A_253 = tpu.memref_slice %arg2[%dma_wait3A_251, %dma_wait3A_252] : memref<100000x128xf32, #tpu.memory_space<hbm>> -> memref<128x128xf32, #tpu.memory_space<hbm>>
      %dma_wait3A_254 = arith.constant 0 : i32
      %dma_wait3A_255 = arith.constant 0 : i32
      %dma_wait3A_256 = tpu.memref_slice %arg2[%dma_wait3A_254, %dma_wait3A_255] : memref<100000x128xf32, #tpu.memory_space<hbm>> -> memref<128x128xf32, #tpu.memory_space<hbm>>
      tpu.wait_dma2 semaphore(%arg13 : memref<!tpu.dma_semaphore, #tpu.memory_space<semaphore_mem>>) src(%dma_wait3A_256 : memref<128x128xf32, #tpu.memory_space<hbm>>) dst(%arg8 : memref<128x128xf32, #tpu.memory_space<vmem>>)
      %sub3A_257 = arith.constant 2 : i32
      %sub3A_258 = arith.subi %add3A_240, %sub3A_257 : i32
      %mul3A_259 = arith.constant 4096 : i32
      %mul3A_260 = arith.muli %sub3A_258, %mul3A_259 : i32
      %add3A_261 = arith.addi %mul3A_260, %mul3A_2 : i32
      %dma_start3A_262 = arith.constant 0 : i32
      %dma_start3A_263 = tpu.memref_slice %arg4[%add3A_261, %dma_start3A_262] : memref<204800x128xf32, #tpu.memory_space<hbm>> -> memref<128x128xf32, #tpu.memory_space<hbm>>
      %dma_start3A_264 = arith.constant 0 : i32
      %dma_start3A_265 = tpu.memref_slice %arg4[%add3A_261, %dma_start3A_264] : memref<204800x128xf32, #tpu.memory_space<hbm>> -> memref<128x128xf32, #tpu.memory_space<hbm>>
      tpu.enqueue_dma source(%arg8 : memref<128x128xf32, #tpu.memory_space<vmem>>) target(%dma_start3A_265 : memref<128x128xf32, #tpu.memory_space<hbm>>) target_semaphore(%arg18 : memref<!tpu.dma_semaphore, #tpu.memory_space<semaphore_mem>>)
    }
    %scan3A_76 = arith.constant 9 : i32
    %dma_wait3A_77 = arith.constant 0 : i32
    %dma_wait3A_78 = arith.constant 0 : i32
    %dma_wait3A_79 = tpu.memref_slice %arg2[%dma_wait3A_77, %dma_wait3A_78] : memref<100000x128xf32, #tpu.memory_space<hbm>> -> memref<128x128xf32, #tpu.memory_space<hbm>>
    %dma_wait3A_80 = arith.constant 0 : i32
    %dma_wait3A_81 = arith.constant 0 : i32
    %dma_wait3A_82 = tpu.memref_slice %arg2[%dma_wait3A_80, %dma_wait3A_81] : memref<100000x128xf32, #tpu.memory_space<hbm>> -> memref<128x128xf32, #tpu.memory_space<hbm>>
    tpu.wait_dma2 semaphore(%arg14 : memref<!tpu.dma_semaphore, #tpu.memory_space<semaphore_mem>>) src(%dma_wait3A_82 : memref<128x128xf32, #tpu.memory_space<hbm>>) dst(%arg9 : memref<128x128xf32, #tpu.memory_space<vmem>>)
    %add3A_83 = arith.constant 196608 : i32
    %add3A_84 = arith.addi %add3A_83, %mul3A_2 : i32
    %dma_start3A_85 = arith.constant 0 : i32
    %dma_start3A_86 = tpu.memref_slice %arg4[%add3A_84, %dma_start3A_85] : memref<204800x128xf32, #tpu.memory_space<hbm>> -> memref<128x128xf32, #tpu.memory_space<hbm>>
    %dma_start3A_87 = arith.constant 0 : i32
    %dma_start3A_88 = tpu.memref_slice %arg4[%add3A_84, %dma_start3A_87] : memref<204800x128xf32, #tpu.memory_space<hbm>> -> memref<128x128xf32, #tpu.memory_space<hbm>>
    tpu.enqueue_dma source(%arg9 : memref<128x128xf32, #tpu.memory_space<vmem>>) target(%dma_start3A_88 : memref<128x128xf32, #tpu.memory_space<hbm>>) target_semaphore(%arg19 : memref<!tpu.dma_semaphore, #tpu.memory_space<semaphore_mem>>)
    %dma_wait3A_89 = arith.constant 0 : i32
    %dma_wait3A_90 = arith.constant 0 : i32
    %dma_wait3A_91 = tpu.memref_slice %arg2[%dma_wait3A_89, %dma_wait3A_90] : memref<100000x128xf32, #tpu.memory_space<hbm>> -> memref<128x128xf32, #tpu.memory_space<hbm>>
    %dma_wait3A_92 = arith.constant 0 : i32
    %dma_wait3A_93 = arith.constant 0 : i32
    %dma_wait3A_94 = tpu.memref_slice %arg2[%dma_wait3A_92, %dma_wait3A_93] : memref<100000x128xf32, #tpu.memory_space<hbm>> -> memref<128x128xf32, #tpu.memory_space<hbm>>
    tpu.wait_dma2 semaphore(%arg15 : memref<!tpu.dma_semaphore, #tpu.memory_space<semaphore_mem>>) src(%dma_wait3A_94 : memref<128x128xf32, #tpu.memory_space<hbm>>) dst(%arg10 : memref<128x128xf32, #tpu.memory_space<vmem>>)
    %add3A_95 = arith.constant 200704 : i32
    %add3A_96 = arith.addi %add3A_95, %mul3A_2 : i32
    %dma_start3A_97 = arith.constant 0 : i32
    %dma_start3A_98 = tpu.memref_slice %arg4[%add3A_96, %dma_start3A_97] : memref<204800x128xf32, #tpu.memory_space<hbm>> -> memref<128x128xf32, #tpu.memory_space<hbm>>
    %dma_start3A_99 = arith.constant 0 : i32
    %dma_start3A_100 = tpu.memref_slice %arg4[%add3A_96, %dma_start3A_99] : memref<204800x128xf32, #tpu.memory_space<hbm>> -> memref<128x128xf32, #tpu.memory_space<hbm>>
    tpu.enqueue_dma source(%arg10 : memref<128x128xf32, #tpu.memory_space<vmem>>) target(%dma_start3A_100 : memref<128x128xf32, #tpu.memory_space<hbm>>) target_semaphore(%arg20 : memref<!tpu.dma_semaphore, #tpu.memory_space<semaphore_mem>>)
    %dma_wait3A_101 = arith.constant 0 : i32
    %dma_wait3A_102 = tpu.memref_slice %arg4[%mul3A_2, %dma_wait3A_101] : memref<204800x128xf32, #tpu.memory_space<hbm>> -> memref<128x128xf32, #tpu.memory_space<hbm>>
    %dma_wait3A_103 = arith.constant 0 : i32
    %dma_wait3A_104 = tpu.memref_slice %arg4[%mul3A_2, %dma_wait3A_103] : memref<204800x128xf32, #tpu.memory_space<hbm>> -> memref<128x128xf32, #tpu.memory_space<hbm>>
    tpu.wait_dma2 semaphore(%arg16 : memref<!tpu.dma_semaphore, #tpu.memory_space<semaphore_mem>>) src(%arg6 : memref<128x128xf32, #tpu.memory_space<vmem>>) dst(%dma_wait3A_104 : memref<128x128xf32, #tpu.memory_space<hbm>>)
    %dma_wait3A_105 = arith.constant 0 : i32
    %dma_wait3A_106 = tpu.memref_slice %arg4[%mul3A_2, %dma_wait3A_105] : memref<204800x128xf32, #tpu.memory_space<hbm>> -> memref<128x128xf32, #tpu.memory_space<hbm>>
    %dma_wait3A_107 = arith.constant 0 : i32
    %dma_wait3A_108 = tpu.memref_slice %arg4[%mul3A_2, %dma_wait3A_107] : memref<204800x128xf32, #tpu.memory_space<hbm>> -> memref<128x128xf32, #tpu.memory_space<hbm>>
    tpu.wait_dma2 semaphore(%arg17 : memref<!tpu.dma_semaphore, #tpu.memory_space<semaphore_mem>>) src(%arg7 : memref<128x128xf32, #tpu.memory_space<vmem>>) dst(%dma_wait3A_108 : memref<128x128xf32, #tpu.memory_space<hbm>>)
    %dma_wait3A_109 = arith.constant 0 : i32
    %dma_wait3A_110 = tpu.memref_slice %arg4[%mul3A_2, %dma_wait3A_109] : memref<204800x128xf32, #tpu.memory_space<hbm>> -> memref<128x128xf32, #tpu.memory_space<hbm>>
    %dma_wait3A_111 = arith.constant 0 : i32
    %dma_wait3A_112 = tpu.memref_slice %arg4[%mul3A_2, %dma_wait3A_111] : memref<204800x128xf32, #tpu.memory_space<hbm>> -> memref<128x128xf32, #tpu.memory_space<hbm>>
    tpu.wait_dma2 semaphore(%arg18 : memref<!tpu.dma_semaphore, #tpu.memory_space<semaphore_mem>>) src(%arg8 : memref<128x128xf32, #tpu.memory_space<vmem>>) dst(%dma_wait3A_112 : memref<128x128xf32, #tpu.memory_space<hbm>>)
    %dma_wait3A_113 = arith.constant 0 : i32
    %dma_wait3A_114 = tpu.memref_slice %arg4[%mul3A_2, %dma_wait3A_113] : memref<204800x128xf32, #tpu.memory_space<hbm>> -> memref<128x128xf32, #tpu.memory_space<hbm>>
    %dma_wait3A_115 = arith.constant 0 : i32
    %dma_wait3A_116 = tpu.memref_slice %arg4[%mul3A_2, %dma_wait3A_115] : memref<204800x128xf32, #tpu.memory_space<hbm>> -> memref<128x128xf32, #tpu.memory_space<hbm>>
    tpu.wait_dma2 semaphore(%arg19 : memref<!tpu.dma_semaphore, #tpu.memory_space<semaphore_mem>>) src(%arg9 : memref<128x128xf32, #tpu.memory_space<vmem>>) dst(%dma_wait3A_116 : memref<128x128xf32, #tpu.memory_space<hbm>>)
    %dma_wait3A_117 = arith.constant 0 : i32
    %dma_wait3A_118 = tpu.memref_slice %arg4[%mul3A_2, %dma_wait3A_117] : memref<204800x128xf32, #tpu.memory_space<hbm>> -> memref<128x128xf32, #tpu.memory_space<hbm>>
    %dma_wait3A_119 = arith.constant 0 : i32
    %dma_wait3A_120 = tpu.memref_slice %arg4[%mul3A_2, %dma_wait3A_119] : memref<204800x128xf32, #tpu.memory_space<hbm>> -> memref<128x128xf32, #tpu.memory_space<hbm>>
    tpu.wait_dma2 semaphore(%arg20 : memref<!tpu.dma_semaphore, #tpu.memory_space<semaphore_mem>>) src(%arg10 : memref<128x128xf32, #tpu.memory_space<vmem>>) dst(%dma_wait3A_120 : memref<128x128xf32, #tpu.memory_space<hbm>>)
    return
  }
}

</mosaic_0001>

<sc_bundles>
// kernel: kernel.3.cloned.1.call-start
scs
__scs_entry_jumppad:
0x0: {  	(pc) =	sbr.rel $0x88, $3  }
0x1: {  	(tag) =	ssettag $0x0;
	lr =	simm.s32 $0x1  }
0x2: {  	[smem:$0x3F9F] =	sst lr;
	_ =	strace $0xD0000000  }
0x3: {  	_ = 	snop  }
0x4: {  	_ = 	snop  }
0x5: {  	_ = 	snop  }
0x6: {  	_ = 	snop  }
0x7: {  	_ = 	snop  }
__scs_overlays_trampoline_lowered:
0x8: {  	[smem:$0x3FAE] =	sst s0  }
0x9: {  	[smem:$0x3FAF] =	sst s1  }
0xa: {  	[smem:$0x3FB0] =	sst s2  }
0xb: {  	[smem:$0x3FB1] =	sst s3  }
0xc: {  	[smem:$0x3FB2] =	sst s4  }
0xd: {  	[smem:$0x3FB3] =	sst s5  }
0xe: {  	[smem:$0x3FB4] =	sst s6  }
0xf: {  	[smem:$0x3FB5] =	sst s7  }
0x10: {  	[smem:$0x3FB6] =	sst s8  }
0x11: {  	[smem:$0x3FB7] =	sst s9;
	s0 =	simm.s32 @!p0 $0x0  }
0x12: {  	s1 =	sld [smem:$0x3F9D];
	s0 =	simm.s32 @p0 $0x1  }
0x13: {  	[smem:$0x3FB8] =	sst s0;
	s0 =	simm.s32 @!p1 $0x0  }
0x14: {  	s2 =	sld [smem:$0x3F9C];
	s0 =	simm.s32 @p1 $0x1  }
0x15: {  	[smem:$0x3FB9] =	sst s0;
	s0 =	simm.s32 @!p2 $0x0  }
0x16: {  	s3 =	sld [smem:$0x3FDB];
	s0 =	simm.s32 @p2 $0x1  }
0x17: {  	s4 =	simm.s32 $0x1BF5;
	[smem:$0x3FBB] =	sst s0  }
0x18: {  	s0 =	sld [smem:$0x3F9E];
	_ =	swait.ge [sflag:s4], $0x0  }
0x19: {  	s7 =	sld [smem:$0x3F9F]  }
0x1a: {  	s8 =	sadd.s32 $0xFFFFE003, lr  }
0x1b: {  	s9 =	sadd.s32 $0xFFFFFEF7, lr;
	s5 =	simm.s32 $0xFFFFFFFF;
	p2 =	slt.u32 s8, $0xFFFFF086  }
0x1c: {  	p1 =	slt.u32 s9, $0xF7A;
	s5 =	simm.s32 @!p2 $0x0  }
0x1d: {  	s5 =	simm.s32 @p1 $0x1;
	p0 =	seq.s32 s7, s2  }
0x1e: {  	s7 =	smul.u32 @!p0 $0xF7A, s2;
	p2 =	seq.s32 @!p0 s5, $0x0  }
0x1f: {  	s9 =	smul.u32 $0xF7A, s1;
	s8 =	simm.s32 @!p0 $0x1BF5;
	p2 =	por !p2, p0  }
0x20: {  	[sflag:s8] =	ssyncset.s32 @!p0 $0xFFFFF086;
	s6 =	sadd.s32 @!p0 s3, s7;
	s7 =	simm.s32 @!p0 $0x108  }
0x21: {  	s3 =	sadd.s32 s3, s9;
	s6 =	sadd.s32 @!p0 $0x88, s6;
	s7 =	simm.s32 @p2 $0x1082  }
0x22: {  	[simem:s7], [sflag:s8] =	dma.local @!p0 [hbm:s6], $0xF7A  }
0x23: {  	s9 =	sor.u32 $0xD0000000, s2;
	s6 =	simm.s32 $0x108;
	_ =	swait.ge @!p0 [sflag:s8], $0x0  }
0x24: {  	s3 =	sadd.s32 $0x88, s3;
	s6 =	simm.s32 @!p1 $0x1082;
	[sflag:s4] =	ssyncset.s32 $0xFFFFF086  }
0x25: {  	[simem:s6], [sflag:s4] =	dma.local [hbm:s3], $0xF7A  }
0x26: {  	[smem:$0x3F9F] =	sst s1;
	(tag) =	ssettag s2;
	_ =	strace s9  }
0x27: {  	s1 =	sld [smem:$0x3FAF]  }
0x28: {  	s2 =	sld [smem:$0x3FB0]  }
0x29: {  	s4 =	sld [smem:$0x3FB2]  }
0x2a: {  	p0 =	seq.s32 s5, $0x0;
	s5 =	sld [smem:$0x3FB3]  }
0x2b: {  	s6 =	sld [smem:$0x3FB4]  }
0x2c: {  	s7 =	sld [smem:$0x3FB5]  }
0x2d: {  	s3 =	simm.s32 $0x108;
	s8 =	sld [smem:$0x3FB6]  }
0x2e: {  	s3 =	simm.s32 @!p0 $0x1082;
	s9 =	sld [smem:$0x3FB7]  }
0x2f: {  	lr =	sadd.s32 s0, s3;
	s0 =	sld [smem:$0x3FAE]  }
0x30: {  	s3 =	sld [smem:$0x3FB1]  }
0x31: {  	[smem:$0x3FBA] =	sst s10  }
0x32: {  	s10 =	sld [smem:$0x3FB8];
	_ =	sdelay $0x3  }
0x33: {  	p0 =	seq.s32 s10, $0x1;
	s10 =	sld [smem:$0x3FBA];
	_ =	sdelay $0x3  }
0x34: {  	[smem:$0x3FBA] =	sst s10  }
0x35: {  	s10 =	sld [smem:$0x3FB9];
	_ =	sdelay $0x3  }
0x36: {  	p1 =	seq.s32 s10, $0x1;
	s10 =	sld [smem:$0x3FBA];
	_ =	sdelay $0x3  }
0x37: {  	[smem:$0x3FBA] =	sst s10  }
0x38: {  	s10 =	sld [smem:$0x3FBB]  }
0x39: {  	_ = 	snop;
	(pc) =	sbr.ind lr, $3  }
0x3a: {  	_ = 	snop  }
0x3b: {  	_ = 	snop  }
0x3c: {  	p2 =	seq.s32 s10, $0x1;
	s10 =	sld [smem:$0x3FBA]  }
0x3d: {  	_ =	shalt  }
0x3e: {  	_ =	shalt  }
0x3f: {  	_ =	shalt  }
0x40: {  	_ =	shalt  }
0x41: {  	_ =	shalt  }
0x42: {  	_ =	shalt  }
0x43: {  	_ =	shalt  }
0x44: {  	_ =	shalt  }
0x45: {  	_ =	shalt  }
0x46: {  	_ =	shalt  }
0x47: {  	_ =	shalt  }
0x48: {  	_ =	shalt  }
0x49: {  	_ =	shalt  }
0x4a: {  	_ =	shalt  }
0x4b: {  	_ =	shalt  }
0x4c: {  	_ =	shalt  }
0x4d: {  	_ =	shalt  }
0x4e: {  	_ =	shalt  }
0x4f: {  	_ =	shalt  }
0x50: {  	_ =	shalt  }
0x51: {  	_ =	shalt  }
0x52: {  	_ =	shalt  }
0x53: {  	_ =	shalt  }
0x54: {  	_ =	shalt  }
0x55: {  	_ =	shalt  }
0x56: {  	_ =	shalt  }
0x57: {  	_ =	shalt  }
0x58: {  	_ =	shalt  }
0x59: {  	_ =	shalt  }
0x5a: {  	_ =	shalt  }
0x5b: {  	_ =	shalt  }
0x5c: {  	_ =	shalt  }
0x5d: {  	_ =	shalt  }
0x5e: {  	_ =	shalt  }
0x5f: {  	_ =	shalt  }
0x60: {  	_ =	shalt  }
0x61: {  	_ =	shalt  }
0x62: {  	_ =	shalt  }
0x63: {  	_ =	shalt  }
0x64: {  	_ =	shalt  }
0x65: {  	_ =	shalt  }
0x66: {  	_ =	shalt  }
0x67: {  	_ =	shalt  }
0x68: {  	_ =	shalt  }
0x69: {  	_ =	shalt  }
0x6a: {  	_ =	shalt  }
0x6b: {  	_ =	shalt  }
0x6c: {  	_ =	shalt  }
0x6d: {  	_ =	shalt  }
0x6e: {  	_ =	shalt  }
0x6f: {  	_ =	shalt  }
0x70: {  	_ =	shalt  }
0x71: {  	_ =	shalt  }
0x72: {  	_ =	shalt  }
0x73: {  	_ =	shalt  }
0x74: {  	_ =	shalt  }
0x75: {  	_ =	shalt  }
0x76: {  	_ =	shalt  }
0x77: {  	_ =	shalt  }
0x78: {  	_ =	shalt  }
0x79: {  	_ =	shalt  }
0x7a: {  	_ =	shalt  }
0x7b: {  	_ =	shalt  }
0x7c: {  	_ =	shalt  }
0x7d: {  	_ =	shalt  }
0x7e: {  	_ =	shalt  }
0x7f: {  	_ =	shalt  }
0x80: {  	_ =	shalt  }
0x81: {  	_ =	shalt  }
0x82: {  	_ =	shalt  }
0x83: {  	_ =	shalt  }
0x84: {  	_ =	shalt  }
0x85: {  	_ =	shalt  }
0x86: {  	_ =	shalt  }
0x87: {  	_ =	shalt  }
.Lfunc_end0:
.L_simem_size_0:
called_computation_lowered:
.L_overlay_start_0:
0x88: {  	s2 =	sld [smem:$0x3FD9]  }
0x89: {  	s3 =	sld [smem:$0x3FFE];
	_ =	sdelay $0x1  }
0x8a: {  	s1 =	srdreg.scid  }
0x8b: {  	s0 =	sand.u32 $0x1, s1  }
0x8c: {  	s18 =	sshll.u32 s0, $0xA;
	s2 =	sadd.s32 s3, s2  }
0x8d: {  	s2 =	sadd.s32 s2, s18  }
0x8e: {  	[smem:$0x3FC6] =	sst s2  }
0x8f: {  	_ = 	snop  }
0x90: {  	s2 =	sld [smem:$0x3FC9]  }
0x91: {  	s19 =	sld [smem:$0x3FC8]  }
0x92: {  	s4 =	sld [smem:$0x3FD0];
	(tm) =	ssettm $0x1  }
0x93: {  	s5 =	sld [smem:$0x3FFB];
	_ =	sdelay $0x3  }
0x94: {  	_ =	strace s5  }
0x95: {  	s5 =	sld [smem:$0x3FFC];
	_ =	sdelay $0x3  }
0x96: {  	_ =	strace s5  }
0x97: {  	s5 =	sld [smem:$0x3FFD];
	_ =	sdelay $0x3  }
0x98: {  	_ =	strace s5  }
0x99: {  	_ =	strace $0x8FFFFFFF  }
0x9a: {  	s20 =	sld [smem:$0x3FDB];
	_ =	sdelay $0x1  }
0x9b: {  	s6 =	simm.s32 $_scs_section_size  }
0x9c: {  	s7 =	simm.s32 $_size__tile_overlayer_lowered;
	s8 =	simm.s32 $_tile_overlayer_lowered  }
0x9d: {  	s23 =	simm.s32 $0x1BFF;
	s22 =	sshll.u32 s8, $0x1;
	s5 =	sadd.s32 s6, s20  }
0x9e: {  	s9 =	simm.s32 $0x0;
	s21 =	sshll.u32 s7, $0x1;
	s7 =	sadd.s32 s22, s5  }
0x9f: {  	[timem:s9], [sflag:s23] =	dma.local [hbm:s7], s21  }
0xa0: {  	_ =	swait.ge [sflag:s23], s21  }
0xa1: {  	s6 =	ssub.s32 $0x0, s21;
	[sflag:s23] =	ssyncset.done $0x0  }
0xa2: {  	[sflag:s23] =	ssyncadd.s32 s6;
	_ =	sdelay $0x1  }
0xa3: {  	s24 =	simm.s32 $0x1B8B  }
0xa4: {  	_ =	swait.ge [sflag:s24], $0x1  }
0xa5: {  	[sflag:s24] =	ssyncset.done $0x0  }
0xa6: {  	s25 =	simm.s32 $0x1B8E;
	[sflag:s24] =	ssyncadd.s32 $0xFFFFFFFF  }
0xa7: {  	s26 =	simm.s32 $execute0_lowered;
	[smem:$0x3FD2] =	sst s25  }
0xa8: {  	s6 =	sshll.u32 s26, $0x1;
	_ =	strace $0x80000046;
	[dreg:$0x1] =	wrdreg $0xFFFFFFFF  }
0xa9: {  	s28 =	simm.s32 $_size_execute0_lowered;
	s5 =	sadd.s32 s5, s6;
	[dreg:$0x0] =	wrdreg $0x0  }
0xaa: {  	s6 =	sshll.u32 s28, $0x1;
	[dreg:$0x2] =	wrdreg s5  }
0xab: {  	[dreg:$0x3] =	wrdreg s6  }
0xac: {  	[dreg:$0x4] =	wrdreg $0xC0  }
0xad: {  	_ =	task [dreg:s9], $0x5FFFF  }
0xae: {  	[dreg:$0x1] =	wrdreg $0xFFFFFFFF  }
0xaf: {  	[dreg:$0x0] =	wrdreg $0x60  }
0xb0: {  	[dreg:$0x2] =	wrdreg s19  }
0xb1: {  	[dreg:$0x3] =	wrdreg s2  }
0xb2: {  	[dreg:$0x4] =	wrdreg s4  }
0xb3: {  	[dreg:$0x5] =	wrdreg $0x9  }
0xb4: {  	_ =	task.clear_ibuf [dreg:s9], $0x6FFFF;
	_ =	strace $0x90000046  }
0xb5: {  	s29 =	simm.s32 $0x9;
	_ =	strace $0x80000048  }
0xb6: {  	_ =	swait.ge [sflag:s29], $0x1  }
0xb7: {  	[sflag:s29] =	ssyncadd.s32 $0xFFFFFFFF  }
0xb8: {  	_ =	strace $0x90000048  }
0xb9: {  	_ =	sfence  }
0xba: {  	s30 =	sld [smem:$0x0];
	_ =	sdelay $0x2  }
0xbb: {  	s31 =	sshll.u32 s1, $0xD;
	s1 =	sshrl.u32 s1, $0x2  }
0xbc: {  	s3 =	sand.u32 $0x4000, s31;
	s1 =	sadd.s32 s1, s30  }
0xbd: {  	s0 =	sor.u32 s3, s0;
	s1 =	sshll.u32 s1, $0x11  }
0xbe: {  	s0 =	sor.u32 s1, s0  }
0xbf: {  	s0 =	sadd.s32 $0x8F2B, s0  }
0xc0: {  	[sflag:s0] =	ssyncadd.remote.s32 $0x1  }
0xc1: {  	_ =	sfence.sel $0xFFFF  }
0xc2: {  	[dreg:$0x0] =	wrdreg $0xFFFFFFFF;
	(pc) =	sbr.abs _section_cstart, $3  }
0xc3: {  	[dreg:$0x1] =	wrdreg $0xFFFFFFFF  }
0xc4: {  	_ =	task.clear_ibuf [dreg:s9], $0x2FFFF;
	_ =	strace $0x9FFFFFFF  }
0xc5: {  	(tm) =	ssettm $0x7FFFFFFF  }
tec
execute0_lowered:
.L_overlay_start_1:
0x0: {  	(tag) =	ssettag $0x1  }
0x1: {  	s1 =	rddreg [dreg:$0x0]  }
0x2: {  	s0 =	rddreg [dreg:$0x1]  }
0x3: {  	s2 =	rddreg [dreg:$0x2]  }
0x4: {  	s3 =	simm.s32 $0x0;
	s4 =	srdreg.scid;
	s9 =	stileid.u32  }
0x5: {  	s15 =	simm.s32 $0xB;
	s16 =	simm.s32 $0x80;
	s17 =	simm.s32 $0x1C00  }
0x6: {  	s18 =	simm.s32 $0x5C00;
	s19 =	simm.s32 $0x1;
	s21 =	simm.s32 $0x9C00  }
0x7: {  	s22 =	simm.s32 $0x2;
	s28 =	simm.s32 $0x11C00;
	s29 =	simm.s32 $0x6  }
0x8: {  	s30 =	simm.s32 $0x4;
	s31 =	simm.s32 $0x7;
	s12 =	simm.s32 $0x9  }
0x9: {  	s13 =	simm.s32 $0xA;
	s14 =	simm.s32 $0x0;
	[smem:$0x7FF] =	sst s3  }
0xa: {  	s7 =	sand.u32 $0x1, s4;
	s6 =	sshll.u32 s9, $0x7;
	s26 =	sshll.u32 s9, $0xB  }
0xb: {  	s4 =	ssub.s32 $0x2, s7;
	s5 =	sshll.u32 s7, $0xB;
	_ =	strace $0x80000047  }
0xc: {  	s25 =	sshll.u32 s7, $0xF;
	s8 =	sshrl.u32 s4, $0x1;
	s5 =	sor.u32 s6, s5  }
0xd: {  	s11 =	ssub.s32 s4, s8;
	s4 =	sadd.s32 s0, s5;
	s23 =	sshll.u32 s5, $0x4  }
0xe: {  	s0 =	sadd.s32 s25, s2;
	s25 =	simm.s32 $0x3;
	s24 =	sadd.s32 $0x6000, s4  }
0xf: {  	s6 =	sadd.s32 s2, s23;
	s0 =	sadd.s32 s26, s0;
	s11 =	smax.u32 s11, $0x1  }
0x10: {  	s2 =	simm.s32 $0x8;
	[dreg:$0x5] =	wrdreg s24;
	s7 =	sadd.s32 $0x10000, s6  }
0x11: {  	s8 =	sadd.s32 $0x20000, s6;
	s9 =	sadd.s32 $0x300000, s6;
	s10 =	sadd.s32 $0x310000, s6  }
0x12: {  	[dreg:$0x4] =	wrdreg s0;
	s24 =	simm.s32 $0xDC00;
	s0 =	simm.s32 $0x5  }
.LBB2_1:
0x13: {  	s5 =	simm.s32 $0x400;
	s20 =	simm.s32 $0x8000  }
0x14: {  	[tilespmem:s3], [sflag:$0xB] =	stream.strided.gather [hbm4b:s4+s5], $0x1800, s20, s5, $0x38;
	[tilespmem:$0x15C00] =	vst v63  }
0x15: {  	s23 =	rddreg [dreg:$0x5];
	s26 =	simm.s32 $0x1800  }
0x16: {  	[tilespmem:s26], [sflag:$0xB] =	stream.linear.gather [hbm4b:s23+s3], $0x100, $0x38;
	[tilespmem:$0x15C00] =	vst v63  }
0x17: {  	_ =	swait.ge [sflag:s15], $0x1900  }
0x18: {  	[sflag:s15] =	ssyncset.done $0x0  }
0x19: {  	[sflag:s15] =	ssyncadd.s32 $0xFFFFE700  }
0x1a: {  	[tilespmem:s17], [sflag:$0x1] =	stream.indirect.gather [hbm4b:s1+s16], $0x80, s3, s16, $0xb8;
	[tilespmem:$0x15C00] =	vst v63  }
0x1b: {  	_ = 	snop  }
0x1c: {  	[tilespmem:s18], [sflag:$0x2] =	stream.indirect.gather [hbm4b:s1+s16], $0x80, s16, s16, $0xb8;
	[tilespmem:$0x15C00] =	vst v63  }
0x1d: {  	_ =	swait.ge [sflag:s19], $0x4000  }
0x1e: {  	[sflag:s19] =	ssyncset.done $0x0  }
0x1f: {  	[sflag:s19] =	ssyncadd.s32 $0xFFFFC000  }
0x20: {  	[hbm4b:s6+s3] =	stream.linear.scatter [tilespmem:s17], [sflag:$0x6], $0x4000, $0x38;
	[tilespmem:$0x15C00] =	vst v63  }
0x21: {  	s20 =	simm.s32 $0x100  }
0x22: {  	[tilespmem:s21], [sflag:$0x3] =	stream.indirect.gather [hbm4b:s1+s16], $0x80, s20, s16, $0xb8;
	[tilespmem:$0x15C00] =	vst v63  }
0x23: {  	_ =	swait.ge [sflag:s22], $0x4000  }
0x24: {  	[sflag:s22] =	ssyncset.done $0x0  }
0x25: {  	[sflag:s22] =	ssyncadd.s32 $0xFFFFC000  }
0x26: {  	[hbm4b:s7+s3] =	stream.linear.scatter [tilespmem:s18], [sflag:$0x7], $0x4000, $0x38;
	[tilespmem:$0x15C00] =	vst v63  }
0x27: {  	s23 =	simm.s32 $0x180  }
0x28: {  	[tilespmem:s24], [sflag:$0x4] =	stream.indirect.gather [hbm4b:s1+s16], $0x80, s23, s16, $0xb8;
	[tilespmem:$0x15C00] =	vst v63  }
0x29: {  	_ =	swait.ge [sflag:s25], $0x4000  }
0x2a: {  	[sflag:s25] =	ssyncset.done $0x0  }
0x2b: {  	[sflag:s25] =	ssyncadd.s32 $0xFFFFC000  }
0x2c: {  	[hbm4b:s8+s3] =	stream.linear.scatter [tilespmem:s21], [sflag:$0x8], $0x4000, $0x38;
	[tilespmem:$0x15C00] =	vst v63  }
0x2d: {  	s26 =	simm.s32 $0x200  }
0x2e: {  	[tilespmem:s28], [sflag:$0x5] =	stream.indirect.gather [hbm4b:s1+s16], $0x80, s26, s16, $0xb8;
	[tilespmem:$0x15C00] =	vst v63  }
0x2f: {  	_ =	swait.ge [sflag:s29], $0x4000  }
0x30: {  	[sflag:s29] =	ssyncset.done $0x0  }
0x31: {  	s5 =	simm.s32 $0x280;
	[sflag:s29] =	ssyncadd.s32 $0xFFFFC000  }
0x32: {  	[tilespmem:s17], [sflag:$0x1] =	stream.indirect.gather [hbm4b:s1+s16], $0x80, s5, s16, $0xb8;
	[tilespmem:$0x15C00] =	vst v63  }
0x33: {  	_ =	swait.ge [sflag:s30], $0x4000  }
0x34: {  	s23 =	rddreg [dreg:$0x4]  }
0x35: {  	[sflag:s30] =	ssyncset.done $0x0;
	s23 =	sadd.s32 $0x0, s23  }
0x36: {  	[sflag:s30] =	ssyncadd.s32 $0xFFFFC000;
	s20 =	sadd.s32 $0x30000, s23  }
0x37: {  	[hbm4b:s20+s3] =	stream.linear.scatter [tilespmem:s24], [sflag:$0x9], $0x4000, $0x38;
	[tilespmem:$0x15C00] =	vst v63  }
0x38: {  	_ =	swait.ge [sflag:s31], $0x4000  }
0x39: {  	[sflag:s31] =	ssyncset.done $0x0  }
0x3a: {  	s26 =	simm.s32 $0x300;
	[sflag:s31] =	ssyncadd.s32 $0xFFFFC000  }
0x3b: {  	[tilespmem:s18], [sflag:$0x2] =	stream.indirect.gather [hbm4b:s1+s16], $0x80, s26, s16, $0xb8;
	[tilespmem:$0x15C00] =	vst v63  }
0x3c: {  	_ =	swait.ge [sflag:s0], $0x4000  }
0x3d: {  	[sflag:s0] =	ssyncset.done $0x0  }
0x3e: {  	s5 =	sadd.s32 $0x40000, s23;
	[sflag:s0] =	ssyncadd.s32 $0xFFFFC000  }
0x3f: {  	[hbm4b:s5+s3] =	stream.linear.scatter [tilespmem:s28], [sflag:$0xA], $0x4000, $0x38;
	[tilespmem:$0x15C00] =	vst v63  }
0x40: {  	_ =	swait.ge [sflag:s2], $0x4000  }
0x41: {  	[sflag:s2] =	ssyncset.done $0x0  }
0x42: {  	s26 =	simm.s32 $0x380;
	[sflag:s2] =	ssyncadd.s32 $0xFFFFC000  }
0x43: {  	[tilespmem:s21], [sflag:$0x3] =	stream.indirect.gather [hbm4b:s1+s16], $0x80, s26, s16, $0xb8;
	[tilespmem:$0x15C00] =	vst v63  }
0x44: {  	_ =	swait.ge [sflag:s19], $0x4000  }
0x45: {  	[sflag:s19] =	ssyncset.done $0x0  }
0x46: {  	s5 =	sadd.s32 $0x50000, s23;
	[sflag:s19] =	ssyncadd.s32 $0xFFFFC000  }
0x47: {  	[hbm4b:s5+s3] =	stream.linear.scatter [tilespmem:s17], [sflag:$0x6], $0x4000, $0x38;
	[tilespmem:$0x15C00] =	vst v63  }
0x48: {  	_ =	swait.ge [sflag:s12], $0x4000  }
0x49: {  	[sflag:s12] =	ssyncset.done $0x0  }
0x4a: {  	s26 =	simm.s32 $0x400;
	[sflag:s12] =	ssyncadd.s32 $0xFFFFC000  }
0x4b: {  	[tilespmem:s24], [sflag:$0x4] =	stream.indirect.gather [hbm4b:s1+s16], $0x80, s26, s16, $0xb8;
	[tilespmem:$0x15C00] =	vst v63  }
0x4c: {  	_ =	swait.ge [sflag:s22], $0x4000  }
0x4d: {  	[sflag:s22] =	ssyncset.done $0x0  }
0x4e: {  	s5 =	sadd.s32 $0x60000, s23;
	[sflag:s22] =	ssyncadd.s32 $0xFFFFC000  }
0x4f: {  	[hbm4b:s5+s3] =	stream.linear.scatter [tilespmem:s18], [sflag:$0x7], $0x4000, $0x38;
	[tilespmem:$0x15C00] =	vst v63  }
0x50: {  	_ =	swait.ge [sflag:s13], $0x4000  }
0x51: {  	[sflag:s13] =	ssyncset.done $0x0  }
0x52: {  	s26 =	simm.s32 $0x480;
	[sflag:s13] =	ssyncadd.s32 $0xFFFFC000  }
0x53: {  	[tilespmem:s28], [sflag:$0x5] =	stream.indirect.gather [hbm4b:s1+s16], $0x80, s26, s16, $0xb8;
	[tilespmem:$0x15C00] =	vst v63  }
0x54: {  	_ =	swait.ge [sflag:s25], $0x4000  }
0x55: {  	s20 =	simm.s32 $0x50000;
	[sflag:s25] =	ssyncset.done $0x0  }
0x56: {  	s26 =	sadd.s32 $0x70000, s23;
	s23 =	simm.s32 $0x700;
	[sflag:s25] =	ssyncadd.s32 $0xFFFFC000  }
.LBB2_2:
0x57: {  	[hbm4b:s26+s3] =	stream.linear.scatter [tilespmem:s21], [sflag:$0x8], $0x4000, $0x38;
	[tilespmem:$0x15C00] =	vst v63  }
0x58: {  	_ =	swait.ge [sflag:s29], $0x4000  }
0x59: {  	[sflag:s29] =	ssyncset.done $0x0  }
0x5a: {  	s5 =	sadd.s32 $0xFFFFFE00, s23;
	[sflag:s29] =	ssyncadd.s32 $0xFFFFC000  }
0x5b: {  	[tilespmem:s17], [sflag:$0x1] =	stream.indirect.gather [hbm4b:s1+s16], $0x80, s5, s16, $0xb8;
	[tilespmem:$0x15C00] =	vst v63  }
0x5c: {  	_ =	swait.ge [sflag:s30], $0x4000  }
0x5d: {  	s26 =	smov.u32 s20;
	s5 =	rddreg [dreg:$0x4]  }
0x5e: {  	[sflag:s30] =	ssyncset.done $0x0;
	s26 =	sadd.s32 s26, s5  }
0x5f: {  	[sflag:s30] =	ssyncadd.s32 $0xFFFFC000;
	s5 =	sadd.s32 $0x30000, s26  }
0x60: {  	[hbm4b:s5+s3] =	stream.linear.scatter [tilespmem:s24], [sflag:$0x9], $0x4000, $0x38;
	[tilespmem:$0x15C00] =	vst v63  }
0x61: {  	_ =	swait.ge [sflag:s31], $0x4000  }
0x62: {  	[sflag:s31] =	ssyncset.done $0x0  }
0x63: {  	s5 =	sadd.s32 $0xFFFFFE80, s23;
	[sflag:s31] =	ssyncadd.s32 $0xFFFFC000  }
0x64: {  	[tilespmem:s18], [sflag:$0x2] =	stream.indirect.gather [hbm4b:s1+s16], $0x80, s5, s16, $0xb8;
	[tilespmem:$0x15C00] =	vst v63  }
0x65: {  	_ =	swait.ge [sflag:s0], $0x4000  }
0x66: {  	[sflag:s0] =	ssyncset.done $0x0  }
0x67: {  	s5 =	sadd.s32 $0x40000, s26;
	[sflag:s0] =	ssyncadd.s32 $0xFFFFC000  }
0x68: {  	[hbm4b:s5+s3] =	stream.linear.scatter [tilespmem:s28], [sflag:$0xA], $0x4000, $0x38;
	[tilespmem:$0x15C00] =	vst v63  }
0x69: {  	_ =	swait.ge [sflag:s2], $0x4000  }
0x6a: {  	[sflag:s2] =	ssyncset.done $0x0  }
0x6b: {  	s5 =	sadd.s32 $0xFFFFFF00, s23;
	[sflag:s2] =	ssyncadd.s32 $0xFFFFC000  }
0x6c: {  	[tilespmem:s21], [sflag:$0x3] =	stream.indirect.gather [hbm4b:s1+s16], $0x80, s5, s16, $0xb8;
	[tilespmem:$0x15C00] =	vst v63  }
0x6d: {  	_ =	swait.ge [sflag:s19], $0x4000  }
0x6e: {  	[sflag:s19] =	ssyncset.done $0x0  }
0x6f: {  	s5 =	sadd.s32 $0x50000, s26;
	[sflag:s19] =	ssyncadd.s32 $0xFFFFC000  }
0x70: {  	[hbm4b:s5+s3] =	stream.linear.scatter [tilespmem:s17], [sflag:$0x6], $0x4000, $0x38;
	[tilespmem:$0x15C00] =	vst v63  }
0x71: {  	_ =	swait.ge [sflag:s12], $0x4000  }
0x72: {  	[sflag:s12] =	ssyncset.done $0x0  }
0x73: {  	s5 =	sadd.s32 $0xFFFFFF80, s23;
	[sflag:s12] =	ssyncadd.s32 $0xFFFFC000  }
0x74: {  	[tilespmem:s24], [sflag:$0x4] =	stream.indirect.gather [hbm4b:s1+s16], $0x80, s5, s16, $0xb8;
	[tilespmem:$0x15C00] =	vst v63  }
0x75: {  	_ =	swait.ge [sflag:s22], $0x4000  }
0x76: {  	[sflag:s22] =	ssyncset.done $0x0  }
0x77: {  	s5 =	sadd.s32 $0x60000, s26;
	[sflag:s22] =	ssyncadd.s32 $0xFFFFC000  }
0x78: {  	[hbm4b:s5+s3] =	stream.linear.scatter [tilespmem:s18], [sflag:$0x7], $0x4000, $0x38;
	[tilespmem:$0x15C00] =	vst v63  }
0x79: {  	_ =	swait.ge [sflag:s13], $0x4000  }
0x7a: {  	p0 =	sne.s32 s20, $0x280000;
	[sflag:s13] =	ssyncset.done $0x0  }
.Ltmp0:
0x7b: {  	[sflag:s13] =	ssyncadd.s32 $0xFFFFC000;
	(pc) =	sbr.rel @p0 .LBB2_2-.Ltmp0, $4  }
0x7c: {  	[tilespmem:s28], [sflag:$0x5] =	stream.indirect.gather [hbm4b:s1+s16], $0x80, s23, s16, $0xb8;
	[tilespmem:$0x15C00] =	vst v63  }
0x7d: {  	_ =	swait.ge [sflag:s25], $0x4000  }
0x7e: {  	s20 =	sadd.s32 $0x50000, s20;
	[sflag:s25] =	ssyncset.done $0x0  }
0x7f: {  	s26 =	sadd.s32 $0x70000, s26;
	s23 =	sadd.s32 $0x280, s23;
	[sflag:s25] =	ssyncadd.s32 $0xFFFFC000  }
0x80: {  	[hbm4b:s26+s3] =	stream.linear.scatter [tilespmem:s21], [sflag:$0x8], $0x4000, $0x38;
	[tilespmem:$0x15C00] =	vst v63  }
0x81: {  	_ =	swait.ge [sflag:s30], $0x4000  }
0x82: {  	[sflag:s30] =	ssyncset.done $0x0  }
0x83: {  	[sflag:s30] =	ssyncadd.s32 $0xFFFFC000  }
0x84: {  	[hbm4b:s9+s3] =	stream.linear.scatter [tilespmem:s24], [sflag:$0x9], $0x4000, $0x38;
	[tilespmem:$0x15C00] =	vst v63  }
0x85: {  	_ =	swait.ge [sflag:s0], $0x4000  }
0x86: {  	[sflag:s0] =	ssyncset.done $0x0  }
0x87: {  	[sflag:s0] =	ssyncadd.s32 $0xFFFFC000  }
0x88: {  	[hbm4b:s10+s3] =	stream.linear.scatter [tilespmem:s28], [sflag:$0xA], $0x4000, $0x38;
	[tilespmem:$0x15C00] =	vst v63  }
0x89: {  	_ =	swait.ge [sflag:s29], $0x4000  }
0x8a: {  	[sflag:s29] =	ssyncset.done $0x0  }
0x8b: {  	[sflag:s29] =	ssyncadd.s32 $0xFFFFC000  }
0x8c: {  	_ =	swait.ge [sflag:s31], $0x4000  }
0x8d: {  	[sflag:s31] =	ssyncset.done $0x0  }
0x8e: {  	[sflag:s31] =	ssyncadd.s32 $0xFFFFC000  }
0x8f: {  	_ =	swait.ge [sflag:s2], $0x4000  }
0x90: {  	[sflag:s2] =	ssyncset.done $0x0  }
0x91: {  	s14 =	sadd.s32 $0x1, s14;
	[sflag:s2] =	ssyncadd.s32 $0xFFFFC000  }
0x92: {  	p0 =	sne.s32 s14, s11;
	_ =	swait.ge [sflag:s12], $0x4000  }
.Ltmp1:
0x93: {  	[sflag:s12] =	ssyncset.done $0x0;
	(pc) =	sbr.rel @p0 .LBB2_1-.Ltmp1, $4  }
0x94: {  	[sflag:s12] =	ssyncadd.s32 $0xFFFFC000  }
0x95: {  	_ =	swait.ge [sflag:s13], $0x4000  }
0x96: {  	[sflag:s13] =	ssyncset.done $0x0  }
0x97: {  	[sflag:s13] =	ssyncadd.s32 $0xFFFFC000  }
0x98: {  	_ =	sfence.sel $0x180000  }
0x99: {  	[bflag:$0x0] =	sbarrier.arrive $0xFFFF  }
0x9a: {  	_ =	strace $0x90000047  }
0x9b: {  	s0 =	stileid.u32;
	[bflag:$0x2] =	sbarrier.arrive $0xFFFF  }
0x9c: {  	p0 =	sne.s32 s0, $0x0;
	s0 =	rddreg [dreg:$0x3]  }
0x9d: {  	s0 =	sadd.s32 @!p0 $0x100000, s0  }
0x9e: {  	[sflag:s0] =	ssyncadd.tile.s32 @!p0 $0x1;
	_ =	shalt  }
.Lfunc_end2:
_tile_overlayer_lowered:
.L_overlay_start_2:
0x9f: {  	(tag) =	ssettag $0x2  }
0xa0: {  	s0 =	rddreg [dreg:$0x0];
	s2 =	stileid.u32  }
0xa1: {  	s1 =	rddreg [dreg:$0x1];
	p0 =	sne.s32 s2, $0x0  }
0xa2: {  	s3 =	rddreg [dreg:$0x2];
	[bflag:$0x3] =	sbarrier.arrive $0xFFFF;
	s2 =	simm.s32 @!p0 $0x1C0B  }
0xa3: {  	[timem:s3], [sflag:s2] =	dma.local @!p0 [hbm:s0], s1  }
0xa4: {  	s0 =	simm.s32 @!p0 $0xB  }
0xa5: {  	_ =	swait.ge @!p0 [sflag:s0], s1  }
0xa6: {  	s1 =	ssub.s32 @!p0 $0x0, s1;
	[sflag:s0] =	ssyncset.done @!p0 $0x0  }
0xa7: {  	[sflag:s0] =	ssyncadd.s32 @!p0 s1  }
0xa8: {  	[bflag:$0x3] =	sbarrier.arrive $0xFFFF  }
0xa9: {  	_ =	shalt  }

</sc_bundles>
